<compile_context>
chip_gen: v7x
topology: tpu7x:2x2x1
jax: 0.10.2.dev20260603
libtpu: 0.0.44.dev20260713+nightly
codegen_flags: <defaults>
</compile_context>

<pallas_src>
import jax
import jax.numpy as jnp
from jax.experimental import pallas as pl

_B = 8
_N = 5000
_TOPK = 200
_IOU_T = 0.5
_SCORE_T = 0.01


def _decode_body(xt_ref, at_ref, x1_ref, y1_ref, x2_ref, y2_ref):
    d = xt_ref[0]
    d_x = d[0:1, :]
    d_y = d[1:2, :]
    d_w = d[2:3, :]
    d_h = d[3:4, :]
    a_x = at_ref[0:1, :]
    a_y = at_ref[1:2, :]
    a_w = at_ref[2:3, :]
    a_h = at_ref[3:4, :]
    cx = d_x * a_w / 10.0 + a_x
    cy = d_y * a_h / 10.0 + a_y
    w = jnp.exp(d_w / 5.0) * a_w
    h = jnp.exp(d_h / 5.0) * a_h
    x1_ref[0] = cx - w / 2.0
    y1_ref[0] = cy - h / 2.0
    x2_ref[0] = cx + w / 2.0
    y2_ref[0] = cy + h / 2.0


def _nms_body(f_ref, out_ref):
    sa0 = f_ref[0]
    x1 = f_ref[1]
    y1 = f_ref[2]
    x2 = f_ref[3]
    y2 = f_ref[4]
    lane = jax.lax.broadcasted_iota(jnp.int32, (_B, _N), 1)
    area = (x2 - x1) * (y2 - y1)
    k = jax.lax.broadcasted_iota(jnp.int32, (_B, 8), 1)

    def body(i, sa):
        m = jnp.max(sa, axis=1, keepdims=True)
        found = m >= _SCORE_T
        idx = jnp.min(jnp.where(sa == m, lane, 1 << 30), axis=1, keepdims=True)
        sel = lane == idx

        def pick(v):
            return jnp.sum(jnp.where(sel, v, 0.0), axis=1, keepdims=True)

        bx1 = pick(x1)
        by1 = pick(y1)
        bx2 = pick(x2)
        by2 = pick(y2)
        a1 = (bx2 - bx1) * (by2 - by1)
        xl = jnp.maximum(bx1, x1)
        xr = jnp.minimum(bx2, x2)
        yt = jnp.maximum(by1, y1)
        yb = jnp.minimum(by2, y2)
        common = jnp.clip(xr - xl, 0.0, 1.0) * jnp.clip(yb - yt, 0.0, 1.0)
        denom = a1 + area - common
        t = common * 67108864.0 - denom * 33554432.0
        sa = jnp.where(t >= 0.0 - denom, -2.0, sa)

        vals = jnp.where(k == 0, idx.astype(jnp.float32), 0.0)
        vals = jnp.where(k == 1, m, vals)
        vals = jnp.where(k == 2, bx1, vals)
        vals = jnp.where(k == 3, by1, vals)
        vals = jnp.where(k == 4, bx2, vals)
        vals = jnp.where(k == 5, by2, vals)
        vals = jnp.where(found, vals, 0.0)
        out_ref[pl.ds(i, 1), :, :] = vals[None, :, :]
        return sa

    jax.lax.fori_loop(0, _TOPK, body, sa0, unroll=2)


def kernel(x, anchor):
    cp = jax.nn.softmax(x[:, :, 4:], axis=2)
    s = jnp.max(cp[:, :, 1:], axis=2)
    c = jnp.argmax(cp[:, :, 1:], axis=2).astype(jnp.float32)

    xt = jnp.transpose(x[:, :, :4], (0, 2, 1))
    at = anchor.T

    row = jax.ShapeDtypeStruct((_B, 1, _N), jnp.float32)
    boxes = pl.pallas_call(
        _decode_body,
        grid=(_B,),
        in_specs=[
            pl.BlockSpec((1, 4, _N), lambda b: (b, 0, 0)),
            pl.BlockSpec((4, _N), lambda b: (0, 0)),
        ],
        out_specs=[pl.BlockSpec((1, 1, _N), lambda b: (b, 0, 0))] * 4,
        out_shape=[row] * 4,
    )(xt, at)

    fields = jnp.stack(
        [s] + [b.reshape(_B, _N) for b in boxes], axis=0
    )

    out = pl.pallas_call(
        _nms_body,
        out_shape=jax.ShapeDtypeStruct((_TOPK, _B, 8), jnp.float32),
    )(fields)
    out = jnp.transpose(out, (1, 0, 2))
    scores = out[:, :, 1]
    cls = jnp.take_along_axis(c, out[:, :, 0].astype(jnp.int32), axis=1)
    cls = jnp.where(scores >= _SCORE_T, cls, 0.0)
    return jnp.concatenate([cls[:, :, None], out[:, :, 1:6]], axis=2)

# --- scband reference (transcript-rebuilt; emitter-appended) ---
"""Pipeline reference for scband-ssd-full-2044404433100 (READ-ONLY COPY).

The authoritative reference and input builder live on the scoring server;
editing this copy changes nothing except your own understanding.
"""

import jax, jax.numpy as jnp
import numpy as np

B, N, CH = 8, 5000, 85
TOPK = 200
NMS_IOU_THRESHOLD = 0.5


def setup_inputs(seed: int = 0):
    key = jax.random.key(seed)
    k1, k2, k3 = jax.random.split(key, 3)
    x = jax.random.normal(k1, (B, N, CH), dtype=jnp.float32)
    cxcy = jax.random.uniform(k2, (N, 2), dtype=jnp.float32)
    wh = jax.random.uniform(k3, (N, 2), dtype=jnp.float32) * 0.2 + 0.02
    anchor = jnp.concatenate([cxcy, wh], axis=1)
    return {"x": x, "anchor": anchor}


def _iou(box1, box2):
    # box1: [4], box2: [N, 4]
    b1x1, b1y1, b1x2, b1y2 = box1[0], box1[1], box1[2], box1[3]
    b2x1, b2y1, b2x2, b2y2 = box2[:, 0], box2[:, 1], box2[:, 2], box2[:, 3]
    area1 = (b1x2 - b1x1) * (b1y2 - b1y1)
    area2 = (b2x2 - b2x1) * (b2y2 - b2y1)
    x_left = jnp.maximum(b1x1, b2x1)
    x_right = jnp.minimum(b1x2, b2x2)
    y_top = jnp.maximum(b1y1, b2y1)
    y_bottom = jnp.minimum(b1y2, b2y2)
    common = jnp.clip(x_right - x_left, 0.0, 1.0) * jnp.clip(y_bottom - y_top, 0.0, 1.0)
    return common / (area1 + area2 - common)


def _nms_single(c, s, b):
    # c: int32[N] class ids, s: float32[N] scores, b: float32[N,4] boxes
    order = jnp.argsort(-s)
    s = s[order]
    b = b[order]
    c = c[order]
    n = s.shape[0]
    alive0 = jnp.ones((n,), dtype=bool)
    keep0 = jnp.zeros((TOPK, 6), dtype=s.dtype)

    def body(i, carry):
        alive, keep = carry
        valid = alive & (s >= 0.01)
        any_valid = jnp.any(valid)
        idx = jnp.argmax(valid)  # first surviving (highest score since sorted)
        row = jnp.concatenate([c[idx].astype(s.dtype)[None], s[idx][None], b[idx]])
        keep = keep.at[i].set(jnp.where(any_valid, row, keep[i]))
        ious = _iou(b[idx], b)
        new_alive = alive & (ious < NMS_IOU_THRESHOLD)
        new_alive = new_alive.at[idx].set(False)
        alive = jnp.where(any_valid, new_alive, alive)
        return (alive, keep)

    _, keep = jax.lax.fori_loop(0, TOPK, body, (alive0, keep0))
    return keep


def reference(x, anchor):
    # x: [B, N, 4+1+class_n]; anchor: [N, 4] = (cx, cy, w, h)
    class_pred = x[:, :, 4:]
    d_x = x[:, :, 0:1]
    d_y = x[:, :, 1:2]
    d_w = x[:, :, 2:3]
    d_h = x[:, :, 3:4]
    a_x = anchor[None, :, 0:1]
    a_y = anchor[None, :, 1:2]
    a_w = anchor[None, :, 2:3]
    a_h = anchor[None, :, 3:4]
    cx = d_x * a_w / 10.0 + a_x
    cy = d_y * a_h / 10.0 + a_y
    w = jnp.exp(d_w / 5.0) * a_w
    h = jnp.exp(d_h / 5.0) * a_h
    x1 = cx - w / 2.0
    x2 = cx + w / 2.0
    y1 = cy - h / 2.0
    y2 = cy + h / 2.0
    cp = jax.nn.softmax(class_pred, axis=2)
    score = jnp.max(cp[:, :, 1:], axis=2)
    cls = jnp.argmax(cp[:, :, 1:], axis=2)
    box = jnp.concatenate([x1, y1, x2, y2], axis=2)
    output = jax.vmap(_nms_single)(cls, score, box)
    return output

if __name__ == "__main__":
    import jax
    _d = setup_inputs()
    print(jax.jit(kernel)(*tuple(_d.values())))

</pallas_src>

<mosaic_0001>
module attributes {stable_mosaic.version = 14 : i64} {
  func.func @_decode_body(%arg0: i32, %arg1: memref<1x4x5000xf32, #tpu.memory_space<vmem>>, %arg2: memref<4x5000xf32, #tpu.memory_space<vmem>>, %arg3: memref<1x1x5000xf32, #tpu.memory_space<vmem>>, %arg4: memref<1x1x5000xf32, #tpu.memory_space<vmem>>, %arg5: memref<1x1x5000xf32, #tpu.memory_space<vmem>>, %arg6: memref<1x1x5000xf32, #tpu.memory_space<vmem>>) attributes {dimension_semantics = [#tpu.dimension_semantics<arbitrary>], iteration_bounds = array<i64: 8>, scalar_prefetch = 0 : i64, scratch_operands = 0 : i64, tpu.core_type = #tpu.core_type<tc>, window_params = [{transform_indices = @transform_0, window_bounds = array<i64: 1, 4, 5000>}, {pipeline_mode = #tpu.pipeline_mode<synchronous>, transform_indices = @transform_1, window_bounds = array<i64: 4, 5000>}, {transform_indices = @transform_2, window_bounds = array<i64: 1, 1, 5000>}, {transform_indices = @transform_3, window_bounds = array<i64: 1, 1, 5000>}, {transform_indices = @transform_4, window_bounds = array<i64: 1, 1, 5000>}, {transform_indices = @transform_5, window_bounds = array<i64: 1, 1, 5000>}]} {
    %get3A = arith.constant 0 : index
    %get3A_0 = arith.constant 0 : index
    %get3A_1 = arith.constant 0 : index
    %get3A_2 = vector.load %arg1[%get3A, %get3A_0, %get3A_1] : memref<1x4x5000xf32, #tpu.memory_space<vmem>>, vector<1x4x5000xf32>
    %get3A_3 = vector.shape_cast %get3A_2 : vector<1x4x5000xf32> to vector<4x5000xf32>
    %slice3A = vector.extract_strided_slice %get3A_3 {offsets = [0, 0], sizes = [1, 5000], strides = [1, 1]} : vector<4x5000xf32> to vector<1x5000xf32>
    %slice3A_4 = vector.extract_strided_slice %get3A_3 {offsets = [1, 0], sizes = [1, 5000], strides = [1, 1]} : vector<4x5000xf32> to vector<1x5000xf32>
    %slice3A_5 = vector.extract_strided_slice %get3A_3 {offsets = [2, 0], sizes = [1, 5000], strides = [1, 1]} : vector<4x5000xf32> to vector<1x5000xf32>
    %slice3A_6 = vector.extract_strided_slice %get3A_3 {offsets = [3, 0], sizes = [1, 5000], strides = [1, 1]} : vector<4x5000xf32> to vector<1x5000xf32>
    %get3A_7 = arith.constant 0 : index
    %get3A_8 = arith.constant 0 : index
    %get3A_9 = vector.load %arg2[%get3A_7, %get3A_8] : memref<4x5000xf32, #tpu.memory_space<vmem>>, vector<1x5000xf32>
    %get3A_10 = arith.constant 1 : index
    %get3A_11 = arith.constant 0 : index
    %get3A_12 = vector.load %arg2[%get3A_10, %get3A_11] : memref<4x5000xf32, #tpu.memory_space<vmem>>, vector<1x5000xf32>
    %get3A_13 = arith.constant 2 : index
    %get3A_14 = arith.constant 0 : index
    %get3A_15 = vector.load %arg2[%get3A_13, %get3A_14] : memref<4x5000xf32, #tpu.memory_space<vmem>>, vector<1x5000xf32>
    %get3A_16 = arith.constant 3 : index
    %get3A_17 = arith.constant 0 : index
    %get3A_18 = vector.load %arg2[%get3A_16, %get3A_17] : memref<4x5000xf32, #tpu.memory_space<vmem>>, vector<1x5000xf32>
    %mul3A = arith.mulf %slice3A, %get3A_15 : vector<1x5000xf32>
    %div3A = arith.constant 1.000000e+01 : f32
    %div3A_19 = vector.broadcast %div3A : f32 to vector<1x5000xf32>
    %div3A_20 = arith.divf %mul3A, %div3A_19 : vector<1x5000xf32>
    %add3A = arith.addf %div3A_20, %get3A_9 : vector<1x5000xf32>
    %mul3A_21 = arith.mulf %slice3A_4, %get3A_18 : vector<1x5000xf32>
    %div3A_22 = arith.constant 1.000000e+01 : f32
    %div3A_23 = vector.broadcast %div3A_22 : f32 to vector<1x5000xf32>
    %div3A_24 = arith.divf %mul3A_21, %div3A_23 : vector<1x5000xf32>
    %add3A_25 = arith.addf %div3A_24, %get3A_12 : vector<1x5000xf32>
    %div3A_26 = arith.constant 5.000000e+00 : f32
    %div3A_27 = vector.broadcast %div3A_26 : f32 to vector<1x5000xf32>
    %div3A_28 = arith.divf %slice3A_5, %div3A_27 : vector<1x5000xf32>
    %exp3A = math.exp %div3A_28 : vector<1x5000xf32>
    %mul3A_29 = arith.mulf %exp3A, %get3A_15 : vector<1x5000xf32>
    %div3A_30 = arith.constant 5.000000e+00 : f32
    %div3A_31 = vector.broadcast %div3A_30 : f32 to vector<1x5000xf32>
    %div3A_32 = arith.divf %slice3A_6, %div3A_31 : vector<1x5000xf32>
    %exp3A_33 = math.exp %div3A_32 : vector<1x5000xf32>
    %mul3A_34 = arith.mulf %exp3A_33, %get3A_18 : vector<1x5000xf32>
    %div3A_35 = arith.constant 2.000000e+00 : f32
    %div3A_36 = vector.broadcast %div3A_35 : f32 to vector<1x5000xf32>
    %div3A_37 = arith.divf %mul3A_29, %div3A_36 : vector<1x5000xf32>
    %sub3A = arith.subf %add3A, %div3A_37 : vector<1x5000xf32>
    %swap3A = arith.constant 0 : index
    %swap3A_38 = arith.constant 0 : index
    %swap3A_39 = arith.constant 0 : index
    %swap3A_40 = vector.load %arg3[%swap3A, %swap3A_38, %swap3A_39] : memref<1x1x5000xf32, #tpu.memory_space<vmem>>, vector<1x1x5000xf32>
    %swap3A_41 = vector.shape_cast %swap3A_40 : vector<1x1x5000xf32> to vector<1x5000xf32>
    %swap3A_42 = vector.shape_cast %sub3A : vector<1x5000xf32> to vector<1x1x5000xf32>
    tpu.vector_store %arg3[%swap3A, %swap3A_38, %swap3A_39], %swap3A_42 {strides = array<i32>} : memref<1x1x5000xf32, #tpu.memory_space<vmem>>, vector<1x1x5000xf32>,
    %div3A_43 = arith.constant 2.000000e+00 : f32
    %div3A_44 = vector.broadcast %div3A_43 : f32 to vector<1x5000xf32>
    %div3A_45 = arith.divf %mul3A_34, %div3A_44 : vector<1x5000xf32>
    %sub3A_46 = arith.subf %add3A_25, %div3A_45 : vector<1x5000xf32>
    %swap3A_47 = arith.constant 0 : index
    %swap3A_48 = arith.constant 0 : index
    %swap3A_49 = arith.constant 0 : index
    %swap3A_50 = vector.load %arg4[%swap3A_47, %swap3A_48, %swap3A_49] : memref<1x1x5000xf32, #tpu.memory_space<vmem>>, vector<1x1x5000xf32>
    %swap3A_51 = vector.shape_cast %swap3A_50 : vector<1x1x5000xf32> to vector<1x5000xf32>
    %swap3A_52 = vector.shape_cast %sub3A_46 : vector<1x5000xf32> to vector<1x1x5000xf32>
    tpu.vector_store %arg4[%swap3A_47, %swap3A_48, %swap3A_49], %swap3A_52 {strides = array<i32>} : memref<1x1x5000xf32, #tpu.memory_space<vmem>>, vector<1x1x5000xf32>,
    %div3A_53 = arith.constant 2.000000e+00 : f32
    %div3A_54 = vector.broadcast %div3A_53 : f32 to vector<1x5000xf32>
    %div3A_55 = arith.divf %mul3A_29, %div3A_54 : vector<1x5000xf32>
    %add3A_56 = arith.addf %add3A, %div3A_55 : vector<1x5000xf32>
    %swap3A_57 = arith.constant 0 : index
    %swap3A_58 = arith.constant 0 : index
    %swap3A_59 = arith.constant 0 : index
    %swap3A_60 = vector.load %arg5[%swap3A_57, %swap3A_58, %swap3A_59] : memref<1x1x5000xf32, #tpu.memory_space<vmem>>, vector<1x1x5000xf32>
    %swap3A_61 = vector.shape_cast %swap3A_60 : vector<1x1x5000xf32> to vector<1x5000xf32>
    %swap3A_62 = vector.shape_cast %add3A_56 : vector<1x5000xf32> to vector<1x1x5000xf32>
    tpu.vector_store %arg5[%swap3A_57, %swap3A_58, %swap3A_59], %swap3A_62 {strides = array<i32>} : memref<1x1x5000xf32, #tpu.memory_space<vmem>>, vector<1x1x5000xf32>,
    %div3A_63 = arith.constant 2.000000e+00 : f32
    %div3A_64 = vector.broadcast %div3A_63 : f32 to vector<1x5000xf32>
    %div3A_65 = arith.divf %mul3A_34, %div3A_64 : vector<1x5000xf32>
    %add3A_66 = arith.addf %add3A_25, %div3A_65 : vector<1x5000xf32>
    %swap3A_67 = arith.constant 0 : index
    %swap3A_68 = arith.constant 0 : index
    %swap3A_69 = arith.constant 0 : index
    %swap3A_70 = vector.load %arg6[%swap3A_67, %swap3A_68, %swap3A_69] : memref<1x1x5000xf32, #tpu.memory_space<vmem>>, vector<1x1x5000xf32>
    %swap3A_71 = vector.shape_cast %swap3A_70 : vector<1x1x5000xf32> to vector<1x5000xf32>
    %swap3A_72 = vector.shape_cast %add3A_66 : vector<1x5000xf32> to vector<1x1x5000xf32>
    tpu.vector_store %arg6[%swap3A_67, %swap3A_68, %swap3A_69], %swap3A_72 {strides = array<i32>} : memref<1x1x5000xf32, #tpu.memory_space<vmem>>, vector<1x1x5000xf32>,
    return
  }
  func.func @transform_0(%arg0: i32) -> (i32, i32, i32) {
    %c0_i32 = arith.constant 0 : i32
    %c0_i32_0 = arith.constant 0 : i32
    %c0_i32_1 = arith.constant 0 : i32
    return %arg0, %c0_i32, %c0_i32_0 : i32, i32, i32
  }
  func.func @transform_1(%arg0: i32) -> (i32, i32) {
    %c0_i32 = arith.constant 0 : i32
    %c0_i32_0 = arith.constant 0 : i32
    %c0_i32_1 = arith.constant 0 : i32
    return %c0_i32, %c0_i32_0 : i32, i32
  }
  func.func @transform_2(%arg0: i32) -> (i32, i32, i32) {
    %c0_i32 = arith.constant 0 : i32
    %c0_i32_0 = arith.constant 0 : i32
    %c0_i32_1 = arith.constant 0 : i32
    return %arg0, %c0_i32, %c0_i32_0 : i32, i32, i32
  }
  func.func @transform_3(%arg0: i32) -> (i32, i32, i32) {
    %c0_i32 = arith.constant 0 : i32
    %c0_i32_0 = arith.constant 0 : i32
    %c0_i32_1 = arith.constant 0 : i32
    return %arg0, %c0_i32, %c0_i32_0 : i32, i32, i32
  }
  func.func @transform_4(%arg0: i32) -> (i32, i32, i32) {
    %c0_i32 = arith.constant 0 : i32
    %c0_i32_0 = arith.constant 0 : i32
    %c0_i32_1 = arith.constant 0 : i32
    return %arg0, %c0_i32, %c0_i32_0 : i32, i32, i32
  }
  func.func @transform_5(%arg0: i32) -> (i32, i32, i32) {
    %c0_i32 = arith.constant 0 : i32
    %c0_i32_0 = arith.constant 0 : i32
    %c0_i32_1 = arith.constant 0 : i32
    return %arg0, %c0_i32, %c0_i32_0 : i32, i32, i32
  }
}

module attributes {stable_mosaic.version = 14 : i64} {
  func.func @_nms_body(%arg0: memref<5x8x5000xf32, #tpu.memory_space<vmem>>, %arg1: memref<200x8x8xf32, #tpu.memory_space<vmem>>) attributes {dimension_semantics = [], scalar_prefetch = 0 : i64, scratch_operands = 0 : i64, tpu.core_type = #tpu.core_type<tc>} {
    %get3A = arith.constant 0 : index
    %get3A_0 = arith.constant 0 : index
    %get3A_1 = arith.constant 0 : index
    %get3A_2 = vector.load %arg0[%get3A, %get3A_0, %get3A_1] : memref<5x8x5000xf32, #tpu.memory_space<vmem>>, vector<1x8x5000xf32>
    %get3A_3 = vector.shape_cast %get3A_2 : vector<1x8x5000xf32> to vector<8x5000xf32>
    %get3A_4 = arith.constant 1 : index
    %get3A_5 = arith.constant 0 : index
    %get3A_6 = arith.constant 0 : index
    %get3A_7 = vector.load %arg0[%get3A_4, %get3A_5, %get3A_6] : memref<5x8x5000xf32, #tpu.memory_space<vmem>>, vector<1x8x5000xf32>
    %get3A_8 = vector.shape_cast %get3A_7 : vector<1x8x5000xf32> to vector<8x5000xf32>
    %get3A_9 = arith.constant 2 : index
    %get3A_10 = arith.constant 0 : index
    %get3A_11 = arith.constant 0 : index
    %get3A_12 = vector.load %arg0[%get3A_9, %get3A_10, %get3A_11] : memref<5x8x5000xf32, #tpu.memory_space<vmem>>, vector<1x8x5000xf32>
    %get3A_13 = vector.shape_cast %get3A_12 : vector<1x8x5000xf32> to vector<8x5000xf32>
    %get3A_14 = arith.constant 3 : index
    %get3A_15 = arith.constant 0 : index
    %get3A_16 = arith.constant 0 : index
    %get3A_17 = vector.load %arg0[%get3A_14, %get3A_15, %get3A_16] : memref<5x8x5000xf32, #tpu.memory_space<vmem>>, vector<1x8x5000xf32>
    %get3A_18 = vector.shape_cast %get3A_17 : vector<1x8x5000xf32> to vector<8x5000xf32>
    %get3A_19 = arith.constant 4 : index
    %get3A_20 = arith.constant 0 : index
    %get3A_21 = arith.constant 0 : index
    %get3A_22 = vector.load %arg0[%get3A_19, %get3A_20, %get3A_21] : memref<5x8x5000xf32, #tpu.memory_space<vmem>>, vector<1x8x5000xf32>
    %get3A_23 = vector.shape_cast %get3A_22 : vector<1x8x5000xf32> to vector<8x5000xf32>
    %iota3A = tpu.iota {dimensions = array<i32: 1>} : vector<8x5000xi32>
    %sub3A = arith.subf %get3A_18, %get3A_8 : vector<8x5000xf32>
    %sub3A_24 = arith.subf %get3A_23, %get3A_13 : vector<8x5000xf32>
    %mul3A = arith.mulf %sub3A, %sub3A_24 : vector<8x5000xf32>
    %iota3A_25 = tpu.iota {dimensions = array<i32: 1>} : vector<8x8xi32>
    %scan3A = arith.constant 0 : i32
    %scan3A_26 = arith.constant 200 : i32
    %scan3A_27 = arith.addi %scan3A, %scan3A_26 : i32
    %scan3A_28 = arith.constant 2 : i32
    %scan3A_29 = scf.for %scan3A_31 = %scan3A to %scan3A_27 step %scan3A_28 iter_args(%scan3A_32 = %get3A_3) -> (vector<8x5000xf32>)  : i32 {
      %reduce_max3A = arith.constant dense<0xFF800000> : vector<8xf32>
      %reduce_max3A_33 = vector.multi_reduction <maximumf>, %scan3A_32, %reduce_max3A [1] : vector<8x5000xf32> to vector<8xf32>
      %broadcast_in_dim3A = vector.shape_cast %reduce_max3A_33 : vector<8xf32> to vector<8x1xf32>
      %ge3A = arith.constant 0.00999999977 : f32
      %ge3A_34 = vector.broadcast %ge3A : f32 to vector<8x1xf32>
      %ge3A_35 = arith.cmpf oge, %broadcast_in_dim3A, %ge3A_34 : vector<8x1xf32>
      %eq3A = vector.broadcast %broadcast_in_dim3A : vector<8x1xf32> to vector<8x5000xf32>
      %eq3A_36 = arith.cmpf oeq, %scan3A_32, %eq3A : vector<8x5000xf32>
      %jit3A = arith.constant 1073741824 : i32
      %broadcast_in_dim3A_37 = vector.broadcast %jit3A : i32 to vector<8x5000xi32>
      %select_n3A = arith.select %eq3A_36, %iota3A, %broadcast_in_dim3A_37 : vector<8x5000xi1>, vector<8x5000xi32>
      %reduce_min3A = arith.constant dense<2147483647> : vector<8xi32>
      %reduce_min3A_38 = vector.multi_reduction <minsi>, %select_n3A, %reduce_min3A [1] : vector<8x5000xi32> to vector<8xi32>
      %broadcast_in_dim3A_39 = vector.shape_cast %reduce_min3A_38 : vector<8xi32> to vector<8x1xi32>
      %eq3A_40 = vector.broadcast %broadcast_in_dim3A_39 : vector<8x1xi32> to vector<8x5000xi32>
      %eq3A_41 = arith.cmpi eq, %iota3A, %eq3A_40 : vector<8x5000xi32>
      %jit3A_42 = arith.constant 0.000000e+00 : f32
      %broadcast_in_dim3A_43 = vector.broadcast %jit3A_42 : f32 to vector<8x5000xf32>
      %select_n3A_44 = arith.select %eq3A_41, %get3A_8, %broadcast_in_dim3A_43 : vector<8x5000xi1>, vector<8x5000xf32>
      %reduce_sum3A = arith.constant dense<0.000000e+00> : vector<8xf32>
      %reduce_sum3A_45 = vector.multi_reduction <add>, %select_n3A_44, %reduce_sum3A [1] : vector<8x5000xf32> to vector<8xf32>
      %broadcast_in_dim3A_46 = vector.shape_cast %reduce_sum3A_45 : vector<8xf32> to vector<8x1xf32>
      %jit3A_47 = arith.constant 0.000000e+00 : f32
      %broadcast_in_dim3A_48 = vector.broadcast %jit3A_47 : f32 to vector<8x5000xf32>
      %select_n3A_49 = arith.select %eq3A_41, %get3A_13, %broadcast_in_dim3A_48 : vector<8x5000xi1>, vector<8x5000xf32>
      %reduce_sum3A_50 = arith.constant dense<0.000000e+00> : vector<8xf32>
      %reduce_sum3A_51 = vector.multi_reduction <add>, %select_n3A_49, %reduce_sum3A_50 [1] : vector<8x5000xf32> to vector<8xf32>
      %broadcast_in_dim3A_52 = vector.shape_cast %reduce_sum3A_51 : vector<8xf32> to vector<8x1xf32>
      %jit3A_53 = arith.constant 0.000000e+00 : f32
      %broadcast_in_dim3A_54 = vector.broadcast %jit3A_53 : f32 to vector<8x5000xf32>
      %select_n3A_55 = arith.select %eq3A_41, %get3A_18, %broadcast_in_dim3A_54 : vector<8x5000xi1>, vector<8x5000xf32>
      %reduce_sum3A_56 = arith.constant dense<0.000000e+00> : vector<8xf32>
      %reduce_sum3A_57 = vector.multi_reduction <add>, %select_n3A_55, %reduce_sum3A_56 [1] : vector<8x5000xf32> to vector<8xf32>
      %broadcast_in_dim3A_58 = vector.shape_cast %reduce_sum3A_57 : vector<8xf32> to vector<8x1xf32>
      %jit3A_59 = arith.constant 0.000000e+00 : f32
      %broadcast_in_dim3A_60 = vector.broadcast %jit3A_59 : f32 to vector<8x5000xf32>
      %select_n3A_61 = arith.select %eq3A_41, %get3A_23, %broadcast_in_dim3A_60 : vector<8x5000xi1>, vector<8x5000xf32>
      %reduce_sum3A_62 = arith.constant dense<0.000000e+00> : vector<8xf32>
      %reduce_sum3A_63 = vector.multi_reduction <add>, %select_n3A_61, %reduce_sum3A_62 [1] : vector<8x5000xf32> to vector<8xf32>
      %broadcast_in_dim3A_64 = vector.shape_cast %reduce_sum3A_63 : vector<8xf32> to vector<8x1xf32>
      %sub3A_65 = arith.subf %broadcast_in_dim3A_58, %broadcast_in_dim3A_46 : vector<8x1xf32>
      %sub3A_66 = arith.subf %broadcast_in_dim3A_64, %broadcast_in_dim3A_52 : vector<8x1xf32>
      %mul3A_67 = arith.mulf %sub3A_65, %sub3A_66 : vector<8x1xf32>
      %max3A = vector.broadcast %broadcast_in_dim3A_46 : vector<8x1xf32> to vector<8x5000xf32>
      %max3A_68 = arith.maximumf %max3A, %get3A_8 : vector<8x5000xf32>
      %min3A = vector.broadcast %broadcast_in_dim3A_58 : vector<8x1xf32> to vector<8x5000xf32>
      %min3A_69 = arith.minimumf %min3A, %get3A_18 : vector<8x5000xf32>
      %max3A_70 = vector.broadcast %broadcast_in_dim3A_52 : vector<8x1xf32> to vector<8x5000xf32>
      %max3A_71 = arith.maximumf %max3A_70, %get3A_13 : vector<8x5000xf32>
      %min3A_72 = vector.broadcast %broadcast_in_dim3A_64 : vector<8x1xf32> to vector<8x5000xf32>
      %min3A_73 = arith.minimumf %min3A_72, %get3A_23 : vector<8x5000xf32>
      %sub3A_74 = arith.subf %min3A_69, %max3A_68 : vector<8x5000xf32>
      %jit3A_75 = arith.constant 0.000000e+00 : f32
      %jit3A_76 = arith.constant 1.000000e+00 : f32
      %max3A_77 = vector.broadcast %jit3A_75 : f32 to vector<8x5000xf32>
      %max3A_78 = arith.maximumf %max3A_77, %sub3A_74 : vector<8x5000xf32>
      %min3A_79 = vector.broadcast %jit3A_76 : f32 to vector<8x5000xf32>
      %min3A_80 = arith.minimumf %min3A_79, %max3A_78 : vector<8x5000xf32>
      %sub3A_81 = arith.subf %min3A_73, %max3A_71 : vector<8x5000xf32>
      %jit3A_82 = arith.constant 0.000000e+00 : f32
      %jit3A_83 = arith.constant 1.000000e+00 : f32
      %max3A_84 = vector.broadcast %jit3A_82 : f32 to vector<8x5000xf32>
      %max3A_85 = arith.maximumf %max3A_84, %sub3A_81 : vector<8x5000xf32>
      %min3A_86 = vector.broadcast %jit3A_83 : f32 to vector<8x5000xf32>
      %min3A_87 = arith.minimumf %min3A_86, %max3A_85 : vector<8x5000xf32>
      %mul3A_88 = arith.mulf %min3A_80, %min3A_87 : vector<8x5000xf32>
      %add3A = vector.broadcast %mul3A_67 : vector<8x1xf32> to vector<8x5000xf32>
      %add3A_89 = arith.addf %add3A, %mul3A : vector<8x5000xf32>
      %sub3A_90 = arith.subf %add3A_89, %mul3A_88 : vector<8x5000xf32>
      %mul3A_91 = arith.constant 0x4C800000 : f32
      %mul3A_92 = vector.broadcast %mul3A_91 : f32 to vector<8x5000xf32>
      %mul3A_93 = arith.mulf %mul3A_88, %mul3A_92 : vector<8x5000xf32>
      %mul3A_94 = arith.constant 0x4C000000 : f32
      %mul3A_95 = vector.broadcast %mul3A_94 : f32 to vector<8x5000xf32>
      %mul3A_96 = arith.mulf %sub3A_90, %mul3A_95 : vector<8x5000xf32>
      %sub3A_97 = arith.subf %mul3A_93, %mul3A_96 : vector<8x5000xf32>
      %sub3A_98 = arith.constant 0.000000e+00 : f32
      %sub3A_99 = vector.broadcast %sub3A_98 : f32 to vector<8x5000xf32>
      %sub3A_100 = arith.subf %sub3A_99, %sub3A_90 : vector<8x5000xf32>
      %ge3A_101 = arith.cmpf oge, %sub3A_97, %sub3A_100 : vector<8x5000xf32>
      %jit3A_102 = arith.constant -2.000000e+00 : f32
      %broadcast_in_dim3A_103 = vector.broadcast %jit3A_102 : f32 to vector<8x5000xf32>
      %select_n3A_104 = arith.select %ge3A_101, %broadcast_in_dim3A_103, %scan3A_32 : vector<8x5000xi1>, vector<8x5000xf32>
      %eq3A_105 = arith.constant 0 : i32
      %eq3A_106 = vector.broadcast %eq3A_105 : i32 to vector<8x8xi32>
      %eq3A_107 = arith.cmpi eq, %iota3A_25, %eq3A_106 : vector<8x8xi32>
      %convert_element_type3A = arith.sitofp %broadcast_in_dim3A_39 : vector<8x1xi32> to vector<8x1xf32>
      %jit3A_108 = arith.constant 0.000000e+00 : f32
      %broadcast_in_dim3A_109 = vector.shape_cast %convert_element_type3A : vector<8x1xf32> to vector<8x1xf32>
      %broadcast_in_dim3A_110 = vector.broadcast %broadcast_in_dim3A_109 : vector<8x1xf32> to vector<8x8xf32>
      %broadcast_in_dim3A_111 = vector.broadcast %jit3A_108 : f32 to vector<8x8xf32>
      %select_n3A_112 = arith.select %eq3A_107, %broadcast_in_dim3A_110, %broadcast_in_dim3A_111 : vector<8x8xi1>, vector<8x8xf32>
      %eq3A_113 = arith.constant 1 : i32
      %eq3A_114 = vector.broadcast %eq3A_113 : i32 to vector<8x8xi32>
      %eq3A_115 = arith.cmpi eq, %iota3A_25, %eq3A_114 : vector<8x8xi32>
      %broadcast_in_dim3A_116 = vector.shape_cast %broadcast_in_dim3A : vector<8x1xf32> to vector<8x1xf32>
      %broadcast_in_dim3A_117 = vector.broadcast %broadcast_in_dim3A_116 : vector<8x1xf32> to vector<8x8xf32>
      %select_n3A_118 = arith.select %eq3A_115, %broadcast_in_dim3A_117, %select_n3A_112 : vector<8x8xi1>, vector<8x8xf32>
      %eq3A_119 = arith.constant 2 : i32
      %eq3A_120 = vector.broadcast %eq3A_119 : i32 to vector<8x8xi32>
      %eq3A_121 = arith.cmpi eq, %iota3A_25, %eq3A_120 : vector<8x8xi32>
      %broadcast_in_dim3A_122 = vector.shape_cast %broadcast_in_dim3A_46 : vector<8x1xf32> to vector<8x1xf32>
      %broadcast_in_dim3A_123 = vector.broadcast %broadcast_in_dim3A_122 : vector<8x1xf32> to vector<8x8xf32>
      %select_n3A_124 = arith.select %eq3A_121, %broadcast_in_dim3A_123, %select_n3A_118 : vector<8x8xi1>, vector<8x8xf32>
      %eq3A_125 = arith.constant 3 : i32
      %eq3A_126 = vector.broadcast %eq3A_125 : i32 to vector<8x8xi32>
      %eq3A_127 = arith.cmpi eq, %iota3A_25, %eq3A_126 : vector<8x8xi32>
      %broadcast_in_dim3A_128 = vector.shape_cast %broadcast_in_dim3A_52 : vector<8x1xf32> to vector<8x1xf32>
      %broadcast_in_dim3A_129 = vector.broadcast %broadcast_in_dim3A_128 : vector<8x1xf32> to vector<8x8xf32>
      %select_n3A_130 = arith.select %eq3A_127, %broadcast_in_dim3A_129, %select_n3A_124 : vector<8x8xi1>, vector<8x8xf32>
      %eq3A_131 = arith.constant 4 : i32
      %eq3A_132 = vector.broadcast %eq3A_131 : i32 to vector<8x8xi32>
      %eq3A_133 = arith.cmpi eq, %iota3A_25, %eq3A_132 : vector<8x8xi32>
      %broadcast_in_dim3A_134 = vector.shape_cast %broadcast_in_dim3A_58 : vector<8x1xf32> to vector<8x1xf32>
      %broadcast_in_dim3A_135 = vector.broadcast %broadcast_in_dim3A_134 : vector<8x1xf32> to vector<8x8xf32>
      %select_n3A_136 = arith.select %eq3A_133, %broadcast_in_dim3A_135, %select_n3A_130 : vector<8x8xi1>, vector<8x8xf32>
      %eq3A_137 = arith.constant 5 : i32
      %eq3A_138 = vector.broadcast %eq3A_137 : i32 to vector<8x8xi32>
      %eq3A_139 = arith.cmpi eq, %iota3A_25, %eq3A_138 : vector<8x8xi32>
      %broadcast_in_dim3A_140 = vector.shape_cast %broadcast_in_dim3A_64 : vector<8x1xf32> to vector<8x1xf32>
      %broadcast_in_dim3A_141 = vector.broadcast %broadcast_in_dim3A_140 : vector<8x1xf32> to vector<8x8xf32>
      %select_n3A_142 = arith.select %eq3A_139, %broadcast_in_dim3A_141, %select_n3A_136 : vector<8x8xi1>, vector<8x8xf32>
      %jit3A_143 = arith.constant 0.000000e+00 : f32
      %broadcast_in_dim3A_144 = vector.shape_cast %ge3A_35 : vector<8x1xi1> to vector<8x1xi1>
      %broadcast_in_dim3A_145 = vector.broadcast %broadcast_in_dim3A_144 : vector<8x1xi1> to vector<8x8xi1>
      %broadcast_in_dim3A_146 = vector.broadcast %jit3A_143 : f32 to vector<8x8xf32>
      %select_n3A_147 = arith.select %broadcast_in_dim3A_145, %select_n3A_142, %broadcast_in_dim3A_146 : vector<8x8xi1>, vector<8x8xf32>
      %broadcast_in_dim3A_148 = vector.shape_cast %select_n3A_147 : vector<8x8xf32> to vector<1x8x8xf32>
      %swap3A = arith.index_cast %scan3A_31 : i32 to index
      %swap3A_149 = arith.constant 0 : index
      %swap3A_150 = arith.constant 0 : index
      %swap3A_151 = vector.load %arg1[%swap3A, %swap3A_149, %swap3A_150] : memref<200x8x8xf32, #tpu.memory_space<vmem>>, vector<1x8x8xf32>
      tpu.vector_store %arg1[%swap3A, %swap3A_149, %swap3A_150], %broadcast_in_dim3A_148 {strides = array<i32>} : memref<200x8x8xf32, #tpu.memory_space<vmem>>, vector<1x8x8xf32>,
      %scan3A_152 = arith.constant 1 : i32
      %scan3A_153 = arith.addi %scan3A_31, %scan3A_152 : i32
      %reduce_max3A_154 = arith.constant dense<0xFF800000> : vector<8xf32>
      %reduce_max3A_155 = vector.multi_reduction <maximumf>, %select_n3A_104, %reduce_max3A_154 [1] : vector<8x5000xf32> to vector<8xf32>
      %broadcast_in_dim3A_156 = vector.shape_cast %reduce_max3A_155 : vector<8xf32> to vector<8x1xf32>
      %ge3A_157 = arith.constant 0.00999999977 : f32
      %ge3A_158 = vector.broadcast %ge3A_157 : f32 to vector<8x1xf32>
      %ge3A_159 = arith.cmpf oge, %broadcast_in_dim3A_156, %ge3A_158 : vector<8x1xf32>
      %eq3A_160 = vector.broadcast %broadcast_in_dim3A_156 : vector<8x1xf32> to vector<8x5000xf32>
      %eq3A_161 = arith.cmpf oeq, %select_n3A_104, %eq3A_160 : vector<8x5000xf32>
      %jit3A_162 = arith.constant 1073741824 : i32
      %broadcast_in_dim3A_163 = vector.broadcast %jit3A_162 : i32 to vector<8x5000xi32>
      %select_n3A_164 = arith.select %eq3A_161, %iota3A, %broadcast_in_dim3A_163 : vector<8x5000xi1>, vector<8x5000xi32>
      %reduce_min3A_165 = arith.constant dense<2147483647> : vector<8xi32>
      %reduce_min3A_166 = vector.multi_reduction <minsi>, %select_n3A_164, %reduce_min3A_165 [1] : vector<8x5000xi32> to vector<8xi32>
      %broadcast_in_dim3A_167 = vector.shape_cast %reduce_min3A_166 : vector<8xi32> to vector<8x1xi32>
      %eq3A_168 = vector.broadcast %broadcast_in_dim3A_167 : vector<8x1xi32> to vector<8x5000xi32>
      %eq3A_169 = arith.cmpi eq, %iota3A, %eq3A_168 : vector<8x5000xi32>
      %jit3A_170 = arith.constant 0.000000e+00 : f32
      %broadcast_in_dim3A_171 = vector.broadcast %jit3A_170 : f32 to vector<8x5000xf32>
      %select_n3A_172 = arith.select %eq3A_169, %get3A_8, %broadcast_in_dim3A_171 : vector<8x5000xi1>, vector<8x5000xf32>
      %reduce_sum3A_173 = arith.constant dense<0.000000e+00> : vector<8xf32>
      %reduce_sum3A_174 = vector.multi_reduction <add>, %select_n3A_172, %reduce_sum3A_173 [1] : vector<8x5000xf32> to vector<8xf32>
      %broadcast_in_dim3A_175 = vector.shape_cast %reduce_sum3A_174 : vector<8xf32> to vector<8x1xf32>
      %jit3A_176 = arith.constant 0.000000e+00 : f32
      %broadcast_in_dim3A_177 = vector.broadcast %jit3A_176 : f32 to vector<8x5000xf32>
      %select_n3A_178 = arith.select %eq3A_169, %get3A_13, %broadcast_in_dim3A_177 : vector<8x5000xi1>, vector<8x5000xf32>
      %reduce_sum3A_179 = arith.constant dense<0.000000e+00> : vector<8xf32>
      %reduce_sum3A_180 = vector.multi_reduction <add>, %select_n3A_178, %reduce_sum3A_179 [1] : vector<8x5000xf32> to vector<8xf32>
      %broadcast_in_dim3A_181 = vector.shape_cast %reduce_sum3A_180 : vector<8xf32> to vector<8x1xf32>
      %jit3A_182 = arith.constant 0.000000e+00 : f32
      %broadcast_in_dim3A_183 = vector.broadcast %jit3A_182 : f32 to vector<8x5000xf32>
      %select_n3A_184 = arith.select %eq3A_169, %get3A_18, %broadcast_in_dim3A_183 : vector<8x5000xi1>, vector<8x5000xf32>
      %reduce_sum3A_185 = arith.constant dense<0.000000e+00> : vector<8xf32>
      %reduce_sum3A_186 = vector.multi_reduction <add>, %select_n3A_184, %reduce_sum3A_185 [1] : vector<8x5000xf32> to vector<8xf32>
      %broadcast_in_dim3A_187 = vector.shape_cast %reduce_sum3A_186 : vector<8xf32> to vector<8x1xf32>
      %jit3A_188 = arith.constant 0.000000e+00 : f32
      %broadcast_in_dim3A_189 = vector.broadcast %jit3A_188 : f32 to vector<8x5000xf32>
      %select_n3A_190 = arith.select %eq3A_169, %get3A_23, %broadcast_in_dim3A_189 : vector<8x5000xi1>, vector<8x5000xf32>
      %reduce_sum3A_191 = arith.constant dense<0.000000e+00> : vector<8xf32>
      %reduce_sum3A_192 = vector.multi_reduction <add>, %select_n3A_190, %reduce_sum3A_191 [1] : vector<8x5000xf32> to vector<8xf32>
      %broadcast_in_dim3A_193 = vector.shape_cast %reduce_sum3A_192 : vector<8xf32> to vector<8x1xf32>
      %sub3A_194 = arith.subf %broadcast_in_dim3A_187, %broadcast_in_dim3A_175 : vector<8x1xf32>
      %sub3A_195 = arith.subf %broadcast_in_dim3A_193, %broadcast_in_dim3A_181 : vector<8x1xf32>
      %mul3A_196 = arith.mulf %sub3A_194, %sub3A_195 : vector<8x1xf32>
      %max3A_197 = vector.broadcast %broadcast_in_dim3A_175 : vector<8x1xf32> to vector<8x5000xf32>
      %max3A_198 = arith.maximumf %max3A_197, %get3A_8 : vector<8x5000xf32>
      %min3A_199 = vector.broadcast %broadcast_in_dim3A_187 : vector<8x1xf32> to vector<8x5000xf32>
      %min3A_200 = arith.minimumf %min3A_199, %get3A_18 : vector<8x5000xf32>
      %max3A_201 = vector.broadcast %broadcast_in_dim3A_181 : vector<8x1xf32> to vector<8x5000xf32>
      %max3A_202 = arith.maximumf %max3A_201, %get3A_13 : vector<8x5000xf32>
      %min3A_203 = vector.broadcast %broadcast_in_dim3A_193 : vector<8x1xf32> to vector<8x5000xf32>
      %min3A_204 = arith.minimumf %min3A_203, %get3A_23 : vector<8x5000xf32>
      %sub3A_205 = arith.subf %min3A_200, %max3A_198 : vector<8x5000xf32>
      %jit3A_206 = arith.constant 0.000000e+00 : f32
      %jit3A_207 = arith.constant 1.000000e+00 : f32
      %max3A_208 = vector.broadcast %jit3A_206 : f32 to vector<8x5000xf32>
      %max3A_209 = arith.maximumf %max3A_208, %sub3A_205 : vector<8x5000xf32>
      %min3A_210 = vector.broadcast %jit3A_207 : f32 to vector<8x5000xf32>
      %min3A_211 = arith.minimumf %min3A_210, %max3A_209 : vector<8x5000xf32>
      %sub3A_212 = arith.subf %min3A_204, %max3A_202 : vector<8x5000xf32>
      %jit3A_213 = arith.constant 0.000000e+00 : f32
      %jit3A_214 = arith.constant 1.000000e+00 : f32
      %max3A_215 = vector.broadcast %jit3A_213 : f32 to vector<8x5000xf32>
      %max3A_216 = arith.maximumf %max3A_215, %sub3A_212 : vector<8x5000xf32>
      %min3A_217 = vector.broadcast %jit3A_214 : f32 to vector<8x5000xf32>
      %min3A_218 = arith.minimumf %min3A_217, %max3A_216 : vector<8x5000xf32>
      %mul3A_219 = arith.mulf %min3A_211, %min3A_218 : vector<8x5000xf32>
      %add3A_220 = vector.broadcast %mul3A_196 : vector<8x1xf32> to vector<8x5000xf32>
      %add3A_221 = arith.addf %add3A_220, %mul3A : vector<8x5000xf32>
      %sub3A_222 = arith.subf %add3A_221, %mul3A_219 : vector<8x5000xf32>
      %mul3A_223 = arith.constant 0x4C800000 : f32
      %mul3A_224 = vector.broadcast %mul3A_223 : f32 to vector<8x5000xf32>
      %mul3A_225 = arith.mulf %mul3A_219, %mul3A_224 : vector<8x5000xf32>
      %mul3A_226 = arith.constant 0x4C000000 : f32
      %mul3A_227 = vector.broadcast %mul3A_226 : f32 to vector<8x5000xf32>
      %mul3A_228 = arith.mulf %sub3A_222, %mul3A_227 : vector<8x5000xf32>
      %sub3A_229 = arith.subf %mul3A_225, %mul3A_228 : vector<8x5000xf32>
      %sub3A_230 = arith.constant 0.000000e+00 : f32
      %sub3A_231 = vector.broadcast %sub3A_230 : f32 to vector<8x5000xf32>
      %sub3A_232 = arith.subf %sub3A_231, %sub3A_222 : vector<8x5000xf32>
      %ge3A_233 = arith.cmpf oge, %sub3A_229, %sub3A_232 : vector<8x5000xf32>
      %jit3A_234 = arith.constant -2.000000e+00 : f32
      %broadcast_in_dim3A_235 = vector.broadcast %jit3A_234 : f32 to vector<8x5000xf32>
      %select_n3A_236 = arith.select %ge3A_233, %broadcast_in_dim3A_235, %select_n3A_104 : vector<8x5000xi1>, vector<8x5000xf32>
      %eq3A_237 = arith.constant 0 : i32
      %eq3A_238 = vector.broadcast %eq3A_237 : i32 to vector<8x8xi32>
      %eq3A_239 = arith.cmpi eq, %iota3A_25, %eq3A_238 : vector<8x8xi32>
      %convert_element_type3A_240 = arith.sitofp %broadcast_in_dim3A_167 : vector<8x1xi32> to vector<8x1xf32>
      %jit3A_241 = arith.constant 0.000000e+00 : f32
      %broadcast_in_dim3A_242 = vector.shape_cast %convert_element_type3A_240 : vector<8x1xf32> to vector<8x1xf32>
      %broadcast_in_dim3A_243 = vector.broadcast %broadcast_in_dim3A_242 : vector<8x1xf32> to vector<8x8xf32>
      %broadcast_in_dim3A_244 = vector.broadcast %jit3A_241 : f32 to vector<8x8xf32>
      %select_n3A_245 = arith.select %eq3A_239, %broadcast_in_dim3A_243, %broadcast_in_dim3A_244 : vector<8x8xi1>, vector<8x8xf32>
      %eq3A_246 = arith.constant 1 : i32
      %eq3A_247 = vector.broadcast %eq3A_246 : i32 to vector<8x8xi32>
      %eq3A_248 = arith.cmpi eq, %iota3A_25, %eq3A_247 : vector<8x8xi32>
      %broadcast_in_dim3A_249 = vector.shape_cast %broadcast_in_dim3A_156 : vector<8x1xf32> to vector<8x1xf32>
      %broadcast_in_dim3A_250 = vector.broadcast %broadcast_in_dim3A_249 : vector<8x1xf32> to vector<8x8xf32>
      %select_n3A_251 = arith.select %eq3A_248, %broadcast_in_dim3A_250, %select_n3A_245 : vector<8x8xi1>, vector<8x8xf32>
      %eq3A_252 = arith.constant 2 : i32
      %eq3A_253 = vector.broadcast %eq3A_252 : i32 to vector<8x8xi32>
      %eq3A_254 = arith.cmpi eq, %iota3A_25, %eq3A_253 : vector<8x8xi32>
      %broadcast_in_dim3A_255 = vector.shape_cast %broadcast_in_dim3A_175 : vector<8x1xf32> to vector<8x1xf32>
      %broadcast_in_dim3A_256 = vector.broadcast %broadcast_in_dim3A_255 : vector<8x1xf32> to vector<8x8xf32>
      %select_n3A_257 = arith.select %eq3A_254, %broadcast_in_dim3A_256, %select_n3A_251 : vector<8x8xi1>, vector<8x8xf32>
      %eq3A_258 = arith.constant 3 : i32
      %eq3A_259 = vector.broadcast %eq3A_258 : i32 to vector<8x8xi32>
      %eq3A_260 = arith.cmpi eq, %iota3A_25, %eq3A_259 : vector<8x8xi32>
      %broadcast_in_dim3A_261 = vector.shape_cast %broadcast_in_dim3A_181 : vector<8x1xf32> to vector<8x1xf32>
      %broadcast_in_dim3A_262 = vector.broadcast %broadcast_in_dim3A_261 : vector<8x1xf32> to vector<8x8xf32>
      %select_n3A_263 = arith.select %eq3A_260, %broadcast_in_dim3A_262, %select_n3A_257 : vector<8x8xi1>, vector<8x8xf32>
      %eq3A_264 = arith.constant 4 : i32
      %eq3A_265 = vector.broadcast %eq3A_264 : i32 to vector<8x8xi32>
      %eq3A_266 = arith.cmpi eq, %iota3A_25, %eq3A_265 : vector<8x8xi32>
      %broadcast_in_dim3A_267 = vector.shape_cast %broadcast_in_dim3A_187 : vector<8x1xf32> to vector<8x1xf32>
      %broadcast_in_dim3A_268 = vector.broadcast %broadcast_in_dim3A_267 : vector<8x1xf32> to vector<8x8xf32>
      %select_n3A_269 = arith.select %eq3A_266, %broadcast_in_dim3A_268, %select_n3A_263 : vector<8x8xi1>, vector<8x8xf32>
      %eq3A_270 = arith.constant 5 : i32
      %eq3A_271 = vector.broadcast %eq3A_270 : i32 to vector<8x8xi32>
      %eq3A_272 = arith.cmpi eq, %iota3A_25, %eq3A_271 : vector<8x8xi32>
      %broadcast_in_dim3A_273 = vector.shape_cast %broadcast_in_dim3A_193 : vector<8x1xf32> to vector<8x1xf32>
      %broadcast_in_dim3A_274 = vector.broadcast %broadcast_in_dim3A_273 : vector<8x1xf32> to vector<8x8xf32>
      %select_n3A_275 = arith.select %eq3A_272, %broadcast_in_dim3A_274, %select_n3A_269 : vector<8x8xi1>, vector<8x8xf32>
      %jit3A_276 = arith.constant 0.000000e+00 : f32
      %broadcast_in_dim3A_277 = vector.shape_cast %ge3A_159 : vector<8x1xi1> to vector<8x1xi1>
      %broadcast_in_dim3A_278 = vector.broadcast %broadcast_in_dim3A_277 : vector<8x1xi1> to vector<8x8xi1>
      %broadcast_in_dim3A_279 = vector.broadcast %jit3A_276 : f32 to vector<8x8xf32>
      %select_n3A_280 = arith.select %broadcast_in_dim3A_278, %select_n3A_275, %broadcast_in_dim3A_279 : vector<8x8xi1>, vector<8x8xf32>
      %broadcast_in_dim3A_281 = vector.shape_cast %select_n3A_280 : vector<8x8xf32> to vector<1x8x8xf32>
      %swap3A_282 = arith.index_cast %scan3A_153 : i32 to index
      %swap3A_283 = arith.constant 0 : index
      %swap3A_284 = arith.constant 0 : index
      %swap3A_285 = vector.load %arg1[%swap3A_282, %swap3A_283, %swap3A_284] : memref<200x8x8xf32, #tpu.memory_space<vmem>>, vector<1x8x8xf32>
      tpu.vector_store %arg1[%swap3A_282, %swap3A_283, %swap3A_284], %broadcast_in_dim3A_281 {strides = array<i32>} : memref<200x8x8xf32, #tpu.memory_space<vmem>>, vector<1x8x8xf32>,
      scf.yield %select_n3A_236 : vector<8x5000xf32>
    }
    %scan3A_30 = arith.constant 200 : i32
    return
  }
}

</mosaic_0001>

<sc_bundles>
// kernel: gather_offload_async_start
scs
__scs_entry_jumppad:
0x0: {  	(pc) =	sbr.rel $0x88, $3  }
0x1: {  	(tag) =	ssettag $0x0;
	lr =	simm.s32 $0x1  }
0x2: {  	[smem:$0x3F9F] =	sst lr;
	_ =	strace $0xD0000000  }
0x3: {  	_ = 	snop  }
0x4: {  	_ = 	snop  }
0x5: {  	_ = 	snop  }
0x6: {  	_ = 	snop  }
0x7: {  	_ = 	snop  }
__scs_overlays_trampoline_lowered:
0x8: {  	[smem:$0x3FAE] =	sst s0  }
0x9: {  	[smem:$0x3FAF] =	sst s1  }
0xa: {  	[smem:$0x3FB0] =	sst s2  }
0xb: {  	[smem:$0x3FB1] =	sst s3  }
0xc: {  	[smem:$0x3FB2] =	sst s4  }
0xd: {  	[smem:$0x3FB3] =	sst s5  }
0xe: {  	[smem:$0x3FB4] =	sst s6  }
0xf: {  	[smem:$0x3FB5] =	sst s7  }
0x10: {  	[smem:$0x3FB6] =	sst s8  }
0x11: {  	[smem:$0x3FB7] =	sst s9;
	s0 =	simm.s32 @!p0 $0x0  }
0x12: {  	s1 =	sld [smem:$0x3F9D];
	s0 =	simm.s32 @p0 $0x1  }
0x13: {  	[smem:$0x3FB8] =	sst s0;
	s0 =	simm.s32 @!p1 $0x0  }
0x14: {  	s2 =	sld [smem:$0x3F9C];
	s0 =	simm.s32 @p1 $0x1  }
0x15: {  	[smem:$0x3FB9] =	sst s0;
	s0 =	simm.s32 @!p2 $0x0  }
0x16: {  	s3 =	sld [smem:$0x3FDB];
	s0 =	simm.s32 @p2 $0x1  }
0x17: {  	s4 =	simm.s32 $0x1BF5;
	[smem:$0x3FBB] =	sst s0  }
0x18: {  	s0 =	sld [smem:$0x3F9E];
	_ =	swait.ge [sflag:s4], $0x0  }
0x19: {  	s7 =	sld [smem:$0x3F9F]  }
0x1a: {  	s8 =	sadd.s32 $0xFFFFE003, lr  }
0x1b: {  	s9 =	sadd.s32 $0xFFFFFEF7, lr;
	s5 =	simm.s32 $0xFFFFFFFF;
	p2 =	slt.u32 s8, $0xFFFFF086  }
0x1c: {  	p1 =	slt.u32 s9, $0xF7A;
	s5 =	simm.s32 @!p2 $0x0  }
0x1d: {  	s5 =	simm.s32 @p1 $0x1;
	p0 =	seq.s32 s7, s2  }
0x1e: {  	s7 =	smul.u32 @!p0 $0xF7A, s2;
	p2 =	seq.s32 @!p0 s5, $0x0  }
0x1f: {  	s9 =	smul.u32 $0xF7A, s1;
	s8 =	simm.s32 @!p0 $0x1BF5;
	p2 =	por !p2, p0  }
0x20: {  	[sflag:s8] =	ssyncset.s32 @!p0 $0xFFFFF086;
	s6 =	sadd.s32 @!p0 s3, s7;
	s7 =	simm.s32 @!p0 $0x108  }
0x21: {  	s3 =	sadd.s32 s3, s9;
	s6 =	sadd.s32 @!p0 $0x88, s6;
	s7 =	simm.s32 @p2 $0x1082  }
0x22: {  	[simem:s7], [sflag:s8] =	dma.local @!p0 [hbm:s6], $0xF7A  }
0x23: {  	s9 =	sor.u32 $0xD0000000, s2;
	s6 =	simm.s32 $0x108;
	_ =	swait.ge @!p0 [sflag:s8], $0x0  }
0x24: {  	s3 =	sadd.s32 $0x88, s3;
	s6 =	simm.s32 @!p1 $0x1082;
	[sflag:s4] =	ssyncset.s32 $0xFFFFF086  }
0x25: {  	[simem:s6], [sflag:s4] =	dma.local [hbm:s3], $0xF7A  }
0x26: {  	[smem:$0x3F9F] =	sst s1;
	(tag) =	ssettag s2;
	_ =	strace s9  }
0x27: {  	s1 =	sld [smem:$0x3FAF]  }
0x28: {  	s2 =	sld [smem:$0x3FB0]  }
0x29: {  	s4 =	sld [smem:$0x3FB2]  }
0x2a: {  	p0 =	seq.s32 s5, $0x0;
	s5 =	sld [smem:$0x3FB3]  }
0x2b: {  	s6 =	sld [smem:$0x3FB4]  }
0x2c: {  	s7 =	sld [smem:$0x3FB5]  }
0x2d: {  	s3 =	simm.s32 $0x108;
	s8 =	sld [smem:$0x3FB6]  }
0x2e: {  	s3 =	simm.s32 @!p0 $0x1082;
	s9 =	sld [smem:$0x3FB7]  }
0x2f: {  	lr =	sadd.s32 s0, s3;
	s0 =	sld [smem:$0x3FAE]  }
0x30: {  	s3 =	sld [smem:$0x3FB1]  }
0x31: {  	[smem:$0x3FBA] =	sst s10  }
0x32: {  	s10 =	sld [smem:$0x3FB8];
	_ =	sdelay $0x3  }
0x33: {  	p0 =	seq.s32 s10, $0x1;
	s10 =	sld [smem:$0x3FBA];
	_ =	sdelay $0x3  }
0x34: {  	[smem:$0x3FBA] =	sst s10  }
0x35: {  	s10 =	sld [smem:$0x3FB9];
	_ =	sdelay $0x3  }
0x36: {  	p1 =	seq.s32 s10, $0x1;
	s10 =	sld [smem:$0x3FBA];
	_ =	sdelay $0x3  }
0x37: {  	[smem:$0x3FBA] =	sst s10  }
0x38: {  	s10 =	sld [smem:$0x3FBB]  }
0x39: {  	_ = 	snop;
	(pc) =	sbr.ind lr, $3  }
0x3a: {  	_ = 	snop  }
0x3b: {  	_ = 	snop  }
0x3c: {  	p2 =	seq.s32 s10, $0x1;
	s10 =	sld [smem:$0x3FBA]  }
0x3d: {  	_ =	shalt  }
0x3e: {  	_ =	shalt  }
0x3f: {  	_ =	shalt  }
0x40: {  	_ =	shalt  }
0x41: {  	_ =	shalt  }
0x42: {  	_ =	shalt  }
0x43: {  	_ =	shalt  }
0x44: {  	_ =	shalt  }
0x45: {  	_ =	shalt  }
0x46: {  	_ =	shalt  }
0x47: {  	_ =	shalt  }
0x48: {  	_ =	shalt  }
0x49: {  	_ =	shalt  }
0x4a: {  	_ =	shalt  }
0x4b: {  	_ =	shalt  }
0x4c: {  	_ =	shalt  }
0x4d: {  	_ =	shalt  }
0x4e: {  	_ =	shalt  }
0x4f: {  	_ =	shalt  }
0x50: {  	_ =	shalt  }
0x51: {  	_ =	shalt  }
0x52: {  	_ =	shalt  }
0x53: {  	_ =	shalt  }
0x54: {  	_ =	shalt  }
0x55: {  	_ =	shalt  }
0x56: {  	_ =	shalt  }
0x57: {  	_ =	shalt  }
0x58: {  	_ =	shalt  }
0x59: {  	_ =	shalt  }
0x5a: {  	_ =	shalt  }
0x5b: {  	_ =	shalt  }
0x5c: {  	_ =	shalt  }
0x5d: {  	_ =	shalt  }
0x5e: {  	_ =	shalt  }
0x5f: {  	_ =	shalt  }
0x60: {  	_ =	shalt  }
0x61: {  	_ =	shalt  }
0x62: {  	_ =	shalt  }
0x63: {  	_ =	shalt  }
0x64: {  	_ =	shalt  }
0x65: {  	_ =	shalt  }
0x66: {  	_ =	shalt  }
0x67: {  	_ =	shalt  }
0x68: {  	_ =	shalt  }
0x69: {  	_ =	shalt  }
0x6a: {  	_ =	shalt  }
0x6b: {  	_ =	shalt  }
0x6c: {  	_ =	shalt  }
0x6d: {  	_ =	shalt  }
0x6e: {  	_ =	shalt  }
0x6f: {  	_ =	shalt  }
0x70: {  	_ =	shalt  }
0x71: {  	_ =	shalt  }
0x72: {  	_ =	shalt  }
0x73: {  	_ =	shalt  }
0x74: {  	_ =	shalt  }
0x75: {  	_ =	shalt  }
0x76: {  	_ =	shalt  }
0x77: {  	_ =	shalt  }
0x78: {  	_ =	shalt  }
0x79: {  	_ =	shalt  }
0x7a: {  	_ =	shalt  }
0x7b: {  	_ =	shalt  }
0x7c: {  	_ =	shalt  }
0x7d: {  	_ =	shalt  }
0x7e: {  	_ =	shalt  }
0x7f: {  	_ =	shalt  }
0x80: {  	_ =	shalt  }
0x81: {  	_ =	shalt  }
0x82: {  	_ =	shalt  }
0x83: {  	_ =	shalt  }
0x84: {  	_ =	shalt  }
0x85: {  	_ =	shalt  }
0x86: {  	_ =	shalt  }
0x87: {  	_ =	shalt  }
.Lfunc_end0:
.L_simem_size_0:
called_computation_lowered:
.L_overlay_start_0:
0x88: {  	s2 =	sld [smem:$0x3FD9]  }
0x89: {  	s3 =	sld [smem:$0x3FFE];
	_ =	sdelay $0x1  }
0x8a: {  	s1 =	srdreg.scid  }
0x8b: {  	s0 =	sand.u32 $0x1, s1  }
0x8c: {  	s17 =	sshll.u32 s0, $0xA;
	s2 =	sadd.s32 s3, s2  }
0x8d: {  	s2 =	sadd.s32 s2, s17  }
0x8e: {  	[smem:$0x3FC6] =	sst s2  }
0x8f: {  	_ = 	snop  }
0x90: {  	s2 =	sld [smem:$0x3FD0];
	(tm) =	ssettm $0x1  }
0x91: {  	s18 =	sld [smem:$0x3FFB];
	_ =	sdelay $0x3  }
0x92: {  	_ =	strace s18  }
0x93: {  	s3 =	sld [smem:$0x3FFC];
	_ =	sdelay $0x3  }
0x94: {  	_ =	strace s3  }
0x95: {  	s3 =	sld [smem:$0x3FFD];
	_ =	sdelay $0x3  }
0x96: {  	_ =	strace s3  }
0x97: {  	_ =	strace $0x8FFFFFFF  }
0x98: {  	s19 =	sld [smem:$0x3FDB];
	_ =	sdelay $0x1  }
0x99: {  	s4 =	simm.s32 $_scs_section_size  }
0x9a: {  	s5 =	simm.s32 $_size__tile_overlayer_lowered;
	s6 =	simm.s32 $_tile_overlayer_lowered  }
0x9b: {  	s22 =	simm.s32 $0x1BFF;
	s21 =	sshll.u32 s6, $0x1;
	s3 =	sadd.s32 s4, s19  }
0x9c: {  	s7 =	simm.s32 $0x0;
	s20 =	sshll.u32 s5, $0x1;
	s5 =	sadd.s32 s21, s3  }
0x9d: {  	[timem:s7], [sflag:s22] =	dma.local [hbm:s5], s20  }
0x9e: {  	_ =	swait.ge [sflag:s22], s20  }
0x9f: {  	s4 =	ssub.s32 $0x0, s20;
	[sflag:s22] =	ssyncset.done $0x0  }
0xa0: {  	[sflag:s22] =	ssyncadd.s32 s4;
	_ =	sdelay $0x1  }
0xa1: {  	s23 =	simm.s32 $0x1B8B  }
0xa2: {  	_ =	swait.ge [sflag:s23], $0x1  }
0xa3: {  	[sflag:s23] =	ssyncset.done $0x0  }
0xa4: {  	s25 =	simm.s32 $0x1B8E;
	s24 =	sld [smem:$0x3FFE];
	[sflag:s23] =	ssyncadd.s32 $0xFFFFFFFF  }
0xa5: {  	s26 =	simm.s32 $execute0_lowered;
	[smem:$0x3FD2] =	sst s25  }
0xa6: {  	s5 =	sshll.u32 s26, $0x1;
	_ =	strace $0x80000046;
	[dreg:$0x1] =	wrdreg $0xFFFFFFFF  }
0xa7: {  	s28 =	simm.s32 $_size_execute0_lowered;
	s3 =	sadd.s32 s3, s5;
	[dreg:$0x0] =	wrdreg $0x0  }
0xa8: {  	s5 =	sshll.u32 s28, $0x1;
	[dreg:$0x2] =	wrdreg s3  }
0xa9: {  	[dreg:$0x3] =	wrdreg s5  }
0xaa: {  	[dreg:$0x4] =	wrdreg $0xC0  }
0xab: {  	_ =	task [dreg:s7], $0x5FFFF  }
0xac: {  	[dreg:$0x1] =	wrdreg $0xFFFFFFFF  }
0xad: {  	[dreg:$0x0] =	wrdreg $0x60  }
0xae: {  	[dreg:$0x2] =	wrdreg s24  }
0xaf: {  	[dreg:$0x3] =	wrdreg s2  }
0xb0: {  	[dreg:$0x4] =	wrdreg $0x9  }
0xb1: {  	_ =	task.clear_ibuf [dreg:s7], $0x5FFFF;
	_ =	strace $0x90000046  }
0xb2: {  	s29 =	simm.s32 $0x9;
	_ =	strace $0x80000048  }
0xb3: {  	_ =	swait.ge [sflag:s29], $0x1  }
0xb4: {  	[sflag:s29] =	ssyncadd.s32 $0xFFFFFFFF  }
0xb5: {  	_ =	strace $0x90000048  }
0xb6: {  	_ =	sfence  }
0xb7: {  	s30 =	sld [smem:$0x0];
	_ =	sdelay $0x2  }
0xb8: {  	s31 =	sshll.u32 s1, $0xD;
	s1 =	sshrl.u32 s1, $0x2  }
0xb9: {  	s3 =	sand.u32 $0x4000, s31;
	s1 =	sadd.s32 s1, s30  }
0xba: {  	s0 =	sor.u32 s3, s0;
	s1 =	sshll.u32 s1, $0x11  }
0xbb: {  	s0 =	sor.u32 s1, s0  }
0xbc: {  	s0 =	sadd.s32 $0x8F2B, s0  }
0xbd: {  	[sflag:s0] =	ssyncadd.remote.s32 $0x1  }
0xbe: {  	_ =	sfence.sel $0xFFFF  }
0xbf: {  	[dreg:$0x0] =	wrdreg $0xFFFFFFFF;
	(pc) =	sbr.abs _section_cstart, $3  }
0xc0: {  	[dreg:$0x1] =	wrdreg $0xFFFFFFFF  }
0xc1: {  	_ =	task.clear_ibuf [dreg:s7], $0x2FFFF;
	_ =	strace $0x9FFFFFFF  }
0xc2: {  	(tm) =	ssettm $0x7FFFFFFF  }
0xc3: {  	_ =	shalt  }
tec
execute0_lowered:
.L_overlay_start_1:
0x0: {  	(tag) =	ssettag $0x1  }
0x1: {  	s1 =	srdreg.scid  }
0x2: {  	s0 =	stileid.u32;
	s2 =	rddreg [dreg:$0x0]  }
0x3: {  	s3 =	rddreg [dreg:$0x1];
	s5 =	simm.s32 $0x1;
	s1 =	sshll.u32 s1, $0x5  }
0x4: {  	s8 =	simm.s32 $0x1;
	s4 =	sshll.u32 s0, $0x6;
	s1 =	sand.u32 $0x20, s1  }
0x5: {  	s9 =	simm.s32 $0x3;
	s10 =	simm.s32 $0x0;
	s4 =	sor.u32 s4, s1  }
0x6: {  	s13 =	simm.s32 $0x0;
	s1 =	rddreg [dreg:$0x2];
	s7 =	ssub.s32 $0x640, s4  }
.Ltmp0:
0x7: {  	_ =	strace $0x80000047;
	s6 =	sand.u32 $0x3E0, s7;
	(pc) =	sbr.rel .LBB2_1-.Ltmp0, $4  }
0x8: {  	s12 =	simm.s32 $0x0;
	[sflag:s5] =	ssyncpa.u1 $0x0;
	p0 =	sne.s32 s6, $0x0  }
0x9: {  	s7 =	sshrl.u32 s7, $0xA;
	s6 =	simm.s32 $0x2;
	s8 =	simm.s32 @!p0 $0x0  }
0xa: {  	s11 =	smov.u32 s4;
	[sflag:s6] =	ssyncpa.u1 $0x0;
	s7 =	sadd.s32 s8, s7  }
0xb: {  	vm0 =	vmmov $0xffff;
	s8 =	sadd.s32 $0x1400, s2;
	[sflag:s9] =	ssyncpa.u1 $0x0;
	s9 =	sadd.s32 $0x1, s7  }
.LBB2_5:
0xc: {  	s15 =	sadd.s32 $0x400, s11  }
0xd: {  	p1 =	sgt.s32 s15, $0x63F  }
0xe: {  	s15 =	smov.u32 @p1 s4;
	p1 =	sne.s32 s12, s9  }
.Ltmp1:
0xf: {  	p0 =	slt.u32 s12, $0x2;
	(pc) =	sbr.rel @!p1 .LBB2_6-.Ltmp1, $4  }
0x10: {  	s14 =	simm.s32 @!p0 $0x3  }
0x11: {  	_ =	swait.ge @!p0 [sflag:s14], $0x20  }
0x12: {  	s16 =	sadd.s32 $0x1, s12;
	s13 =	smov.u32 s11;
	[sflag:s14] =	ssyncset.done @!p0 $0x0  }
0x13: {  	s12 =	smov.u32 s16;
	s11 =	smov.u32 s15;
	[sflag:s14] =	ssyncadd.s32 @!p0 $0xFFFFFFE0  }
.LBB2_1:
0x14: {  	p0 =	sge.u32 s12, s7  }
0x15: {  	s14 =	sxor.u32 @!p0 $0xFFFFFFFF, s12  }
0x16: {  	s31 =	sadd.s32 $0xFFFFFFFF, s12;
	s15 =	sshrl.u32 @!p0 s11, $0x3;
	s14 =	sshll.u32 @!p0 s14, $0x5  }
0x17: {  	s16 =	sand.u32 @!p0 $0x7, s11;
	s15 =	sadd.s32 @!p0 s3, s15;
	s14 =	sand.u32 @!p0 $0x20, s14  }
0x18: {  	[tilespmem:s14], [sflag:$0x2] =	stream.linear.gather @!p0 [hbm4b:s15+s16], $0x20, $0x38;
	[tilespmem:$0x80] =	vst v63  }
0x19: {  	p0 =	sge.u32 s31, s7  }
.Ltmp2:
0x1a: {  	_ = 	snop;
	(pc) =	sbr.rel @p0 .LBB2_5-.Ltmp2, $1  }
0x1b: {  	_ =	sdelay $0x3  }
0x1c: {  	_ =	swait.ge [sflag:s6], $0x20;
	s14 =	sshll.u32 s12, $0x5;
	s16 =	simm.s32 $0x0  }
0x1d: {  	p0 =	por $0x1, $0x1;
	[sflag:s6] =	ssyncset.done $0x0;
	s15 =	sand.u32 $0x20, s14  }
0x1e: {  	[sflag:s6] =	ssyncadd.s32 $0xFFFFFFE0;
	(ifvalue) =	ssetifvalue $0x7FFFFFFF;
	s14 =	sor.u32 $0x40, s15  }
.LBB2_3:
0x1f: {  	s17 =	sadd.s32 s16, s15  }
0x20: {  	v0 =	vld.msk [tilespmem:s17+$0x0 ss:$0x1], $0xffff;
	_ =	sdelay $0x4  }
0x21: {  	vm1 =	veq.s32 v0, $0x80000000;
	v1 =	vand.u32 $0x7, v0;
	v0 =	vshrl.u32 v0, $0x3  }
0x22: {  	v1 =	vsel vm1, $0xFFFFFFFF, v1;
	v0 =	vand.u32 $0x1FFF, v0  }
0x23: {  	v0 =	vsel vm1, $0xFFFFFFFF, v0;
	v2 =	vshrl.u32 v1, $0x3  }
0x24: {  	v2 =	vmul.u32 $0xA000, v2;
	v3 =	vshll.u32 v0, $0x3  }
0x25: {  	v1 =	vshll.u32 v1, $0x7;
	v3 =	vand.u32 $0xFFFFFC00, v3  }
0x26: {  	v1 =	vand.u32 $0x380, v1;
	v2 =	vadd.s32 v2, v3  }
0x27: {  	v0 =	vand.u32 $0x7F, v0;
	v1 =	vor.u32 v1, v2  }
0x28: {  	p1 =	por p0, p0;
	v0 =	vor.u32 v0, v1  }
.Ltmp3:
0x29: {  	_ = 	snop;
	(pc) =	sbr.rel @p1 .LBB2_3-.Ltmp3, $4  }
0x2a: {  	_ = 	snop  }
0x2b: {  	s31 =	sadd.s32 s16, s14  }
0x2c: {  	s16 =	simm.s32 $0x10;
	p0 =	por $0x0, $0x0;
	(ifvalue) =	ssetifvalue $0x7FFFFFFF  }
0x2d: {  	[tilespmem:s31], [sflag:$0x1] =	stream.indirect_vreg.gather [hbm4b:s2+s10], $0x1, v0, vm0, $0x4038;
	[tilespmem:$0x80] =	vst v63  }
.Ltmp4:
0x2e: {  	(pc) =	sbr.rel .LBB2_5-.Ltmp4, $4  }
0x2f: {  	_ =	swait.ge [sflag:s5], $0x20  }
0x30: {  	s15 =	sshrl.u32 s13, $0x3;
	[sflag:s5] =	ssyncset.done $0x0  }
0x31: {  	s31 =	sand.u32 $0x7, s13;
	s15 =	sadd.s32 s8, s15;
	[sflag:s5] =	ssyncadd.s32 $0xFFFFFFE0  }
0x32: {  	[hbm4b:s15+s31] =	stream.linear.scatter [tilespmem:s14], [sflag:$0x3], $0x20, $0x38;
	[tilespmem:$0x80] =	vst v63  }
.LBB2_6:
0x33: {  	_ =	sfence.sel $0x180000  }
0x34: {  	s2 =	simm.s32 $0x2;
	[bflag:$0x0] =	sbarrier.arrive $0xFFFF  }
0x35: {  	s30 =	simm.s32 $0x3;
	[sflag:s2] =	ssyncpa.u1 $0x1  }
0x36: {  	s31 =	simm.s32 $0x1;
	[sflag:s30] =	ssyncpa.u1 $0x1  }
0x37: {  	[sflag:s31] =	ssyncpa.u1 $0x1  }
0x38: {  	p0 =	sne.s32 s0, $0x0;
	_ =	strace $0x90000047  }
0x39: {  	s0 =	sadd.s32 @!p0 $0x100000, s1;
	[bflag:$0x2] =	sbarrier.arrive $0xFFFF  }
0x3a: {  	[sflag:s0] =	ssyncadd.tile.s32 @!p0 $0x1;
	_ =	shalt  }
.Lfunc_end2:
_tile_overlayer_lowered:
.L_overlay_start_2:
0x3b: {  	(tag) =	ssettag $0x2  }
0x3c: {  	s0 =	rddreg [dreg:$0x0];
	s2 =	stileid.u32  }
0x3d: {  	s1 =	rddreg [dreg:$0x1];
	p0 =	sne.s32 s2, $0x0  }
0x3e: {  	s3 =	rddreg [dreg:$0x2];
	[bflag:$0x3] =	sbarrier.arrive $0xFFFF;
	s2 =	simm.s32 @!p0 $0x1C01  }
0x3f: {  	[timem:s3], [sflag:s2] =	dma.local @!p0 [hbm:s0], s1  }
0x40: {  	s0 =	simm.s32 @!p0 $0x1  }
0x41: {  	_ =	swait.ge @!p0 [sflag:s0], s1  }
0x42: {  	s1 =	ssub.s32 @!p0 $0x0, s1;
	[sflag:s0] =	ssyncset.done @!p0 $0x0  }
0x43: {  	[sflag:s0] =	ssyncadd.s32 @!p0 s1  }
0x44: {  	[bflag:$0x3] =	sbarrier.arrive $0xFFFF  }
0x45: {  	_ =	shalt  }

</sc_bundles>
